<compile_context>
chip_gen: v7x
topology: tpu7x:2x2x1
jax: 0.10.2.dev20260603
libtpu: 0.0.44.dev20260713+nightly
codegen_flags: <defaults>
</compile_context>

<pallas_src>
import functools

import jax
import jax.numpy as jnp
from jax import lax
from jax.experimental import pallas as pl
from jax.experimental.pallas import tpu as pltpu
from jax.experimental.pallas import tpu_sc as plsc

B = 16384
D = 64
N = 1_000_000

_info = plsc.get_sparse_core_info()
_NC = _info.num_cores
_NS = _info.num_subcores
_NW = _NC * _NS
_BPW = B // _NW

_RW = 24576
_H = _RW // 2
_NBLK = (N + _RW - 1) // _RW
_QN = _NBLK * _H


def _reformat_body(mlp_t, mf_t, w0h, out):
    dn = (((0,), (0,)), ((), ()))

    def pack(x):
        xb = x.astype(jnp.bfloat16)
        lo = jax.lax.bitcast_convert_type(xb[:_H], jnp.int16).astype(jnp.int32)
        hi = jax.lax.bitcast_convert_type(xb[_H:], jnp.int16).astype(jnp.int32)
        return (hi << 16) | (lo & 0xFFFF)

    a = jax.lax.dot_general(mlp_t[...], w0h[...], dn,
                            preferred_element_type=jnp.float32)
    out[:, :D] = pack(a)
    r = jax.lax.broadcasted_iota(jnp.int32, (D, D), 0)
    c = jax.lax.broadcasted_iota(jnp.int32, (D, D), 1)
    eye = (r == c).astype(jnp.float32)
    b = jax.lax.dot_general(mf_t[...], eye, dn,
                            preferred_element_type=jnp.float32)
    out[:, D:] = pack(b)


def _reformat(emb_mlp_t, emb_mf_t, w0h):
    in_spec = pl.BlockSpec((D, _RW), lambda i: (0, i))
    return pl.pallas_call(
        _reformat_body,
        grid=(pl.cdiv(N, _RW),),
        in_specs=[in_spec, in_spec,
                  pl.BlockSpec((D, D), lambda i: (0, 0))],
        out_specs=pl.BlockSpec((_H, 2 * D), lambda i: (i, 0)),
        out_shape=jax.ShapeDtypeStruct((_QN, 2 * D), jnp.int32),
        compiler_params=pltpu.CompilerParams(
            vmem_limit_bytes=120 * 1024 * 1024),
    )(emb_mlp_t, emb_mf_t, w0h)


_HC = _BPW // 2


def _sc_gather2(uidx_hbm, iidx_hbm, t_user, t_item, o_user, o_item,
                uidx_v, iidx_v, rows_a, rows_b, sem_a, sem_b):
    wid = lax.axis_index("s") * _NC + lax.axis_index("c")
    base = wid * _BPW
    pltpu.sync_copy(uidx_hbm.at[pl.ds(base, _BPW)], uidx_v)
    pltpu.sync_copy(iidx_hbm.at[pl.ds(base, _BPW)], iidx_v)
    work = ((t_user, uidx_v, o_user, 0), (t_item, iidx_v, o_item, 0),
            (t_user, uidx_v, o_user, 1), (t_item, iidx_v, o_item, 1))
    bufs = (rows_a, rows_b)
    sems = (sem_a, sem_b)
    pend = [None, None]
    for slot, (table, idx_v, out, half) in enumerate(work):
        s = slot % 2
        if pend[s] is not None:
            pend[s].wait()
        cp = pltpu.async_copy(
            table.at[idx_v.at[pl.ds(half * _HC, _HC)]], bufs[s], sems[s])
        cp.wait()
        pend[s] = pltpu.async_copy(
            bufs[s], out.at[pl.ds(base + half * _HC, _HC)], sems[s])
    for p in pend:
        p.wait()


_gather2 = functools.partial(
    pl.kernel,
    mesh=plsc.VectorSubcoreMesh(core_axis_name="c", subcore_axis_name="s"),
    out_type=[jax.ShapeDtypeStruct((B, 2 * D), jnp.int32)] * 2,
    scratch_types=[
        pltpu.VMEM((_BPW,), jnp.int32),
        pltpu.VMEM((_BPW,), jnp.int32),
        pltpu.VMEM((_BPW // 2, 2 * D), jnp.int32),
        pltpu.VMEM((_BPW // 2, 2 * D), jnp.int32),
        pltpu.SemaphoreType.DMA,
        pltpu.SemaphoreType.DMA,
    ],
)(_sc_gather2)


_BS = 2048


def _unpack(packed, sel):
    lo = jax.lax.bitcast_convert_type(
        jax.lax.shift_left(packed, 16), jnp.float32)
    hi = jax.lax.bitcast_convert_type(packed & jnp.int32(-65536), jnp.float32)
    return jnp.where(sel != 0, hi, lo)


def _mlp_body(u_pack, u_sel, i_pack, i_sel, b0, w1, b1, w2, b2,
              wtop, wbot, bout, out):
    u_cat = _unpack(u_pack[...], u_sel[...])
    i_cat = _unpack(i_pack[...], i_sel[...])
    h = u_cat[:, :D] + i_cat[:, :D]
    h = jnp.maximum(h + b0[...], 0.0)
    h = jnp.maximum(
        jnp.dot(h, w1[...], preferred_element_type=jnp.float32) + b1[...], 0.0)
    h = jnp.maximum(
        jnp.dot(h, w2[...], preferred_element_type=jnp.float32) + b2[...], 0.0)
    mf = u_cat[:, D:] * i_cat[:, D:]
    logits = jnp.dot(h, wtop[...], preferred_element_type=jnp.float32)
    logits += jnp.dot(mf, wbot[...], preferred_element_type=jnp.float32)
    logits += bout[...]
    out[...] = jax.nn.sigmoid(logits)


def _mlp_tower(u_pack, u_sel, i_pack, i_sel, b0, W1, b1, W2, b2,
               W_out, b_out):
    wtop = W_out[:16]
    wbot = W_out[16:]
    grid = B // _BS
    row_spec = pl.BlockSpec((_BS, 2 * D), lambda i: (i, 0))
    sel_spec = pl.BlockSpec((_BS, 1), lambda i: (i, 0))
    full = lambda a: pl.BlockSpec(a.shape, lambda i: (0,) * a.ndim)
    args = (u_pack, u_sel, i_pack, i_sel, b0.reshape(1, -1), W1,
            b1.reshape(1, -1), W2, b2.reshape(1, -1), wtop, wbot,
            b_out.reshape(1, 1))
    specs = [row_spec, sel_spec, row_spec, sel_spec] + [full(a) for a in args[4:]]
    return pl.pallas_call(
        _mlp_body,
        grid=(grid,),
        in_specs=specs,
        out_specs=pl.BlockSpec((_BS, 1), lambda i: (i, 0)),
        out_shape=jax.ShapeDtypeStruct((B, 1), jnp.float32),
    )(*args)


def _pack_coords(idx):
    idx = idx.astype(jnp.int32)
    blk = idx // _RW
    local = idx % _RW
    q = blk * _H + local % _H
    sel = local // _H
    return q, sel.reshape(-1, 1)


def kernel(user_indices, item_indices, emb_user_mlp, emb_item_mlp,
           emb_user_mf, emb_item_mf, W0, b0, W1, b1, W2, b2, W_out, b_out):
    user_table = _reformat(emb_user_mlp.T, emb_user_mf.T, W0[:D])
    item_table = _reformat(emb_item_mlp.T, emb_item_mf.T, W0[D:])
    uq, usel = _pack_coords(user_indices)
    iq, isel = _pack_coords(item_indices)
    u_pack, i_pack = _gather2(uq, iq, user_table, item_table)
    return _mlp_tower(u_pack, usel, i_pack, isel, b0, W1, b1, W2, b2,
                      W_out, b_out)

# --- scband reference (transcript-rebuilt; emitter-appended) ---
"""Pipeline reference for scband-neu-mf-14431090115168 (READ-ONLY COPY).

The authoritative reference and input builder live on the scoring server;
editing this copy changes nothing except your own understanding.
"""

import jax, jax.numpy as jnp
import numpy as np

NUM_USERS = 1000000
NUM_ITEMS = 1000000
DIM_MLP = 64
DIM_MF = 64
LAYERS = [128, 64, 32, 16]
BATCH = 16384


def setup_inputs(seed: int = 0) -> dict:
    key = jax.random.key(seed)
    ks = jax.random.split(key, 16)
    inp = {}
    inp['user_indices'] = jax.random.randint(ks[0], (BATCH,), 0, NUM_USERS, dtype=jnp.int64 if jax.config.jax_enable_x64 else jnp.int32)
    inp['item_indices'] = jax.random.randint(ks[1], (BATCH,), 0, NUM_ITEMS, dtype=jnp.int64 if jax.config.jax_enable_x64 else jnp.int32)
    inp['emb_user_mlp'] = jax.random.normal(ks[2], (NUM_USERS, DIM_MLP), dtype=jnp.float32) * 0.05
    inp['emb_item_mlp'] = jax.random.normal(ks[3], (NUM_ITEMS, DIM_MLP), dtype=jnp.float32) * 0.05
    inp['emb_user_mf'] = jax.random.normal(ks[4], (NUM_USERS, DIM_MF), dtype=jnp.float32) * 0.05
    inp['emb_item_mf'] = jax.random.normal(ks[5], (NUM_ITEMS, DIM_MF), dtype=jnp.float32) * 0.05
    # fc layers, stored as [in, out] so forward is x @ W + b
    inp['W0'] = jax.random.normal(ks[6], (LAYERS[0], LAYERS[1]), dtype=jnp.float32) * 0.05
    inp['b0'] = jnp.zeros((LAYERS[1],), dtype=jnp.float32)
    inp['W1'] = jax.random.normal(ks[7], (LAYERS[1], LAYERS[2]), dtype=jnp.float32) * 0.05
    inp['b1'] = jnp.zeros((LAYERS[2],), dtype=jnp.float32)
    inp['W2'] = jax.random.normal(ks[8], (LAYERS[2], LAYERS[3]), dtype=jnp.float32) * 0.05
    inp['b2'] = jnp.zeros((LAYERS[3],), dtype=jnp.float32)
    inp['W_out'] = jax.random.normal(ks[9], (LAYERS[3] + DIM_MF, 1), dtype=jnp.float32) * 0.05
    inp['b_out'] = jnp.zeros((1,), dtype=jnp.float32)
    return inp


def reference(user_indices, item_indices, emb_user_mlp, emb_item_mlp, emb_user_mf, emb_item_mf, W0, b0, W1, b1, W2, b2, W_out, b_out):
    user_embedding_mlp = jnp.take(emb_user_mlp, user_indices, axis=0)
    item_embedding_mlp = jnp.take(emb_item_mlp, item_indices, axis=0)
    user_embedding_mf = jnp.take(emb_user_mf, user_indices, axis=0)
    item_embedding_mf = jnp.take(emb_item_mf, item_indices, axis=0)
    mlp_vector = jnp.concatenate([user_embedding_mlp, item_embedding_mlp], axis=-1)
    mf_vector = user_embedding_mf * item_embedding_mf
    for W, b in ((W0, b0), (W1, b1), (W2, b2)):
        mlp_vector = jax.nn.relu(mlp_vector @ W + b)
    vector = jnp.concatenate([mlp_vector, mf_vector], axis=-1)
    logits = vector @ W_out + b_out
    rating = jax.nn.sigmoid(logits)
    return rating

if __name__ == "__main__":
    import jax
    _d = setup_inputs()
    print(jax.jit(kernel)(*tuple(_d.values())))

</pallas_src>

<mosaic_0001>
#map = affine_map<(d0, d1) -> (0)>
#map1 = affine_map<(d0, d1) -> (0, 0)>
module attributes {stable_mosaic.version = 14 : i64} {
  func.func @_sc_gather2(%arg0: i32, %arg1: i32, %arg2: memref<16384xi32, #tpu.memory_space<hbm>>, %arg3: memref<16384xi32, #tpu.memory_space<hbm>>, %arg4: memref<503808x128xi32, #tpu.memory_space<hbm>>, %arg5: memref<503808x128xi32, #tpu.memory_space<hbm>>, %arg6: memref<16384x128xi32, #tpu.memory_space<hbm>>, %arg7: memref<16384x128xi32, #tpu.memory_space<hbm>>, %arg8: memref<512xi32, #tpu.memory_space<vmem>>, %arg9: memref<512xi32, #tpu.memory_space<vmem>>, %arg10: memref<256x128xi32, #tpu.memory_space<vmem>>, %arg11: memref<256x128xi32, #tpu.memory_space<vmem>>, %arg12: memref<!tpu.dma_semaphore, #tpu.memory_space<semaphore_mem>>, %arg13: memref<!tpu.dma_semaphore, #tpu.memory_space<semaphore_mem>>) attributes {dimension_semantics = [#tpu.dimension_semantics<core_parallel>, #tpu.dimension_semantics<subcore_parallel>], iteration_bounds = array<i64: 2, 16>, scalar_prefetch = 0 : i64, scratch_operands = 6 : i64, tpu.core_type = #tpu.core_type<sc_vector_subcore>, window_params = [{transform_indices = #map}, {transform_indices = #map}, {transform_indices = #map1}, {transform_indices = #map1}, {transform_indices = #map1}, {transform_indices = #map1}]} {
    %mul3A = arith.constant 2 : i32
    %mul3A_0 = arith.muli %arg1, %mul3A : i32
    %add3A = arith.addi %mul3A_0, %arg0 : i32
    %mul3A_1 = arith.constant 512 : i32
    %mul3A_2 = arith.muli %add3A, %mul3A_1 : i32
    "tpu.region"() ({
      %run_scoped3A = tpu.sem_alloc : memref<!tpu.dma_semaphore, #tpu.memory_space<semaphore_mem>>
      %dma_start3A_81 = tpu.memref_slice %arg2[%mul3A_2] : memref<16384xi32, #tpu.memory_space<hbm>> -> memref<512xi32, #tpu.memory_space<hbm>>
      %dma_start3A_82 = tpu.memref_slice %arg2[%mul3A_2] : memref<16384xi32, #tpu.memory_space<hbm>> -> memref<512xi32, #tpu.memory_space<hbm>>
      tpu.enqueue_dma source(%dma_start3A_82 : memref<512xi32, #tpu.memory_space<hbm>>) target(%arg8 : memref<512xi32, #tpu.memory_space<vmem>>) target_semaphore(%run_scoped3A : memref<!tpu.dma_semaphore, #tpu.memory_space<semaphore_mem>>)
      %dma_wait3A_83 = tpu.memref_slice %arg2[%mul3A_2] : memref<16384xi32, #tpu.memory_space<hbm>> -> memref<512xi32, #tpu.memory_space<hbm>>
      %dma_wait3A_84 = tpu.memref_slice %arg2[%mul3A_2] : memref<16384xi32, #tpu.memory_space<hbm>> -> memref<512xi32, #tpu.memory_space<hbm>>
      tpu.wait_dma2 semaphore(%run_scoped3A : memref<!tpu.dma_semaphore, #tpu.memory_space<semaphore_mem>>) src(%dma_wait3A_84 : memref<512xi32, #tpu.memory_space<hbm>>) dst(%arg8 : memref<512xi32, #tpu.memory_space<vmem>>)
      tpu.yield
    }) : () -> ()
    "tpu.region"() ({
      %run_scoped3A = tpu.sem_alloc : memref<!tpu.dma_semaphore, #tpu.memory_space<semaphore_mem>>
      %dma_start3A_81 = tpu.memref_slice %arg3[%mul3A_2] : memref<16384xi32, #tpu.memory_space<hbm>> -> memref<512xi32, #tpu.memory_space<hbm>>
      %dma_start3A_82 = tpu.memref_slice %arg3[%mul3A_2] : memref<16384xi32, #tpu.memory_space<hbm>> -> memref<512xi32, #tpu.memory_space<hbm>>
      tpu.enqueue_dma source(%dma_start3A_82 : memref<512xi32, #tpu.memory_space<hbm>>) target(%arg9 : memref<512xi32, #tpu.memory_space<vmem>>) target_semaphore(%run_scoped3A : memref<!tpu.dma_semaphore, #tpu.memory_space<semaphore_mem>>)
      %dma_wait3A_83 = tpu.memref_slice %arg3[%mul3A_2] : memref<16384xi32, #tpu.memory_space<hbm>> -> memref<512xi32, #tpu.memory_space<hbm>>
      %dma_wait3A_84 = tpu.memref_slice %arg3[%mul3A_2] : memref<16384xi32, #tpu.memory_space<hbm>> -> memref<512xi32, #tpu.memory_space<hbm>>
      tpu.wait_dma2 semaphore(%run_scoped3A : memref<!tpu.dma_semaphore, #tpu.memory_space<semaphore_mem>>) src(%dma_wait3A_84 : memref<512xi32, #tpu.memory_space<hbm>>) dst(%arg9 : memref<512xi32, #tpu.memory_space<vmem>>)
      tpu.yield
    }) : () -> ()
    %dma_start3A = arith.constant 0 : i32
    %dma_start3A_3 = tpu.memref_slice %arg8[%dma_start3A] : memref<512xi32, #tpu.memory_space<vmem>> -> memref<256xi32, #tpu.memory_space<vmem>>
    %dma_start3A_4 = arith.constant 0 : i32
    %dma_start3A_5 = arith.constant 0 : i32
    %dma_start3A_6 = tpu.memref_slice %arg4[%dma_start3A_4, %dma_start3A_5] : memref<503808x128xi32, #tpu.memory_space<hbm>> -> memref<503808x128xi32, #tpu.memory_space<hbm>>
    tpu.enqueue_indirect_dma source(%dma_start3A_6 : memref<503808x128xi32, #tpu.memory_space<hbm>>) target(%arg10 : memref<256x128xi32, #tpu.memory_space<vmem>>) offsets(%dma_start3A_3 : memref<256xi32, #tpu.memory_space<vmem>>) semaphore(%arg12 : memref<!tpu.dma_semaphore, #tpu.memory_space<semaphore_mem>>)
    %dma_wait3A = arith.constant 0 : i32
    %dma_wait3A_7 = tpu.memref_slice %arg8[%dma_wait3A] : memref<512xi32, #tpu.memory_space<vmem>> -> memref<256xi32, #tpu.memory_space<vmem>>
    %dma_wait3A_8 = arith.constant 0 : i32
    %dma_wait3A_9 = arith.constant 0 : i32
    %dma_wait3A_10 = tpu.memref_slice %arg4[%dma_wait3A_8, %dma_wait3A_9] : memref<503808x128xi32, #tpu.memory_space<hbm>> -> memref<503808x128xi32, #tpu.memory_space<hbm>>
    tpu.wait_indirect_dma semaphore(%arg12 : memref<!tpu.dma_semaphore, #tpu.memory_space<semaphore_mem>>) src(%dma_wait3A_10 : memref<503808x128xi32, #tpu.memory_space<hbm>>) dst(%arg10 : memref<256x128xi32, #tpu.memory_space<vmem>>)
    %add3A_11 = arith.constant 0 : i32
    %add3A_12 = arith.addi %mul3A_2, %add3A_11 : i32
    %dma_start3A_13 = arith.constant 0 : i32
    %dma_start3A_14 = tpu.memref_slice %arg6[%add3A_12, %dma_start3A_13] : memref<16384x128xi32, #tpu.memory_space<hbm>> -> memref<256x128xi32, #tpu.memory_space<hbm>>
    %dma_start3A_15 = arith.constant 0 : i32
    %dma_start3A_16 = tpu.memref_slice %arg6[%add3A_12, %dma_start3A_15] : memref<16384x128xi32, #tpu.memory_space<hbm>> -> memref<256x128xi32, #tpu.memory_space<hbm>>
    tpu.enqueue_dma source(%arg10 : memref<256x128xi32, #tpu.memory_space<vmem>>) target(%dma_start3A_16 : memref<256x128xi32, #tpu.memory_space<hbm>>) target_semaphore(%arg12 : memref<!tpu.dma_semaphore, #tpu.memory_space<semaphore_mem>>)
    %dma_start3A_17 = arith.constant 0 : i32
    %dma_start3A_18 = tpu.memref_slice %arg9[%dma_start3A_17] : memref<512xi32, #tpu.memory_space<vmem>> -> memref<256xi32, #tpu.memory_space<vmem>>
    %dma_start3A_19 = arith.constant 0 : i32
    %dma_start3A_20 = arith.constant 0 : i32
    %dma_start3A_21 = tpu.memref_slice %arg5[%dma_start3A_19, %dma_start3A_20] : memref<503808x128xi32, #tpu.memory_space<hbm>> -> memref<503808x128xi32, #tpu.memory_space<hbm>>
    tpu.enqueue_indirect_dma source(%dma_start3A_21 : memref<503808x128xi32, #tpu.memory_space<hbm>>) target(%arg11 : memref<256x128xi32, #tpu.memory_space<vmem>>) offsets(%dma_start3A_18 : memref<256xi32, #tpu.memory_space<vmem>>) semaphore(%arg13 : memref<!tpu.dma_semaphore, #tpu.memory_space<semaphore_mem>>)
    %dma_wait3A_22 = arith.constant 0 : i32
    %dma_wait3A_23 = tpu.memref_slice %arg9[%dma_wait3A_22] : memref<512xi32, #tpu.memory_space<vmem>> -> memref<256xi32, #tpu.memory_space<vmem>>
    %dma_wait3A_24 = arith.constant 0 : i32
    %dma_wait3A_25 = arith.constant 0 : i32
    %dma_wait3A_26 = tpu.memref_slice %arg5[%dma_wait3A_24, %dma_wait3A_25] : memref<503808x128xi32, #tpu.memory_space<hbm>> -> memref<503808x128xi32, #tpu.memory_space<hbm>>
    tpu.wait_indirect_dma semaphore(%arg13 : memref<!tpu.dma_semaphore, #tpu.memory_space<semaphore_mem>>) src(%dma_wait3A_26 : memref<503808x128xi32, #tpu.memory_space<hbm>>) dst(%arg11 : memref<256x128xi32, #tpu.memory_space<vmem>>)
    %add3A_27 = arith.constant 0 : i32
    %add3A_28 = arith.addi %mul3A_2, %add3A_27 : i32
    %dma_start3A_29 = arith.constant 0 : i32
    %dma_start3A_30 = tpu.memref_slice %arg7[%add3A_28, %dma_start3A_29] : memref<16384x128xi32, #tpu.memory_space<hbm>> -> memref<256x128xi32, #tpu.memory_space<hbm>>
    %dma_start3A_31 = arith.constant 0 : i32
    %dma_start3A_32 = tpu.memref_slice %arg7[%add3A_28, %dma_start3A_31] : memref<16384x128xi32, #tpu.memory_space<hbm>> -> memref<256x128xi32, #tpu.memory_space<hbm>>
    tpu.enqueue_dma source(%arg11 : memref<256x128xi32, #tpu.memory_space<vmem>>) target(%dma_start3A_32 : memref<256x128xi32, #tpu.memory_space<hbm>>) target_semaphore(%arg13 : memref<!tpu.dma_semaphore, #tpu.memory_space<semaphore_mem>>)
    %dma_wait3A_33 = arith.constant 0 : i32
    %dma_wait3A_34 = tpu.memref_slice %arg6[%add3A_12, %dma_wait3A_33] : memref<16384x128xi32, #tpu.memory_space<hbm>> -> memref<256x128xi32, #tpu.memory_space<hbm>>
    %dma_wait3A_35 = arith.constant 0 : i32
    %dma_wait3A_36 = tpu.memref_slice %arg6[%add3A_12, %dma_wait3A_35] : memref<16384x128xi32, #tpu.memory_space<hbm>> -> memref<256x128xi32, #tpu.memory_space<hbm>>
    tpu.wait_dma2 semaphore(%arg12 : memref<!tpu.dma_semaphore, #tpu.memory_space<semaphore_mem>>) src(%arg10 : memref<256x128xi32, #tpu.memory_space<vmem>>) dst(%dma_wait3A_36 : memref<256x128xi32, #tpu.memory_space<hbm>>)
    %dma_start3A_37 = arith.constant 256 : i32
    %dma_start3A_38 = tpu.memref_slice %arg8[%dma_start3A_37] : memref<512xi32, #tpu.memory_space<vmem>> -> memref<256xi32, #tpu.memory_space<vmem>>
    %dma_start3A_39 = arith.constant 0 : i32
    %dma_start3A_40 = arith.constant 0 : i32
    %dma_start3A_41 = tpu.memref_slice %arg4[%dma_start3A_39, %dma_start3A_40] : memref<503808x128xi32, #tpu.memory_space<hbm>> -> memref<503808x128xi32, #tpu.memory_space<hbm>>
    tpu.enqueue_indirect_dma source(%dma_start3A_41 : memref<503808x128xi32, #tpu.memory_space<hbm>>) target(%arg10 : memref<256x128xi32, #tpu.memory_space<vmem>>) offsets(%dma_start3A_38 : memref<256xi32, #tpu.memory_space<vmem>>) semaphore(%arg12 : memref<!tpu.dma_semaphore, #tpu.memory_space<semaphore_mem>>)
    %dma_wait3A_42 = arith.constant 256 : i32
    %dma_wait3A_43 = tpu.memref_slice %arg8[%dma_wait3A_42] : memref<512xi32, #tpu.memory_space<vmem>> -> memref<256xi32, #tpu.memory_space<vmem>>
    %dma_wait3A_44 = arith.constant 0 : i32
    %dma_wait3A_45 = arith.constant 0 : i32
    %dma_wait3A_46 = tpu.memref_slice %arg4[%dma_wait3A_44, %dma_wait3A_45] : memref<503808x128xi32, #tpu.memory_space<hbm>> -> memref<503808x128xi32, #tpu.memory_space<hbm>>
    tpu.wait_indirect_dma semaphore(%arg12 : memref<!tpu.dma_semaphore, #tpu.memory_space<semaphore_mem>>) src(%dma_wait3A_46 : memref<503808x128xi32, #tpu.memory_space<hbm>>) dst(%arg10 : memref<256x128xi32, #tpu.memory_space<vmem>>)
    %add3A_47 = arith.constant 256 : i32
    %add3A_48 = arith.addi %mul3A_2, %add3A_47 : i32
    %dma_start3A_49 = arith.constant 0 : i32
    %dma_start3A_50 = tpu.memref_slice %arg6[%add3A_48, %dma_start3A_49] : memref<16384x128xi32, #tpu.memory_space<hbm>> -> memref<256x128xi32, #tpu.memory_space<hbm>>
    %dma_start3A_51 = arith.constant 0 : i32
    %dma_start3A_52 = tpu.memref_slice %arg6[%add3A_48, %dma_start3A_51] : memref<16384x128xi32, #tpu.memory_space<hbm>> -> memref<256x128xi32, #tpu.memory_space<hbm>>
    tpu.enqueue_dma source(%arg10 : memref<256x128xi32, #tpu.memory_space<vmem>>) target(%dma_start3A_52 : memref<256x128xi32, #tpu.memory_space<hbm>>) target_semaphore(%arg12 : memref<!tpu.dma_semaphore, #tpu.memory_space<semaphore_mem>>)
    %dma_wait3A_53 = arith.constant 0 : i32
    %dma_wait3A_54 = tpu.memref_slice %arg7[%add3A_28, %dma_wait3A_53] : memref<16384x128xi32, #tpu.memory_space<hbm>> -> memref<256x128xi32, #tpu.memory_space<hbm>>
    %dma_wait3A_55 = arith.constant 0 : i32
    %dma_wait3A_56 = tpu.memref_slice %arg7[%add3A_28, %dma_wait3A_55] : memref<16384x128xi32, #tpu.memory_space<hbm>> -> memref<256x128xi32, #tpu.memory_space<hbm>>
    tpu.wait_dma2 semaphore(%arg13 : memref<!tpu.dma_semaphore, #tpu.memory_space<semaphore_mem>>) src(%arg11 : memref<256x128xi32, #tpu.memory_space<vmem>>) dst(%dma_wait3A_56 : memref<256x128xi32, #tpu.memory_space<hbm>>)
    %dma_start3A_57 = arith.constant 256 : i32
    %dma_start3A_58 = tpu.memref_slice %arg9[%dma_start3A_57] : memref<512xi32, #tpu.memory_space<vmem>> -> memref<256xi32, #tpu.memory_space<vmem>>
    %dma_start3A_59 = arith.constant 0 : i32
    %dma_start3A_60 = arith.constant 0 : i32
    %dma_start3A_61 = tpu.memref_slice %arg5[%dma_start3A_59, %dma_start3A_60] : memref<503808x128xi32, #tpu.memory_space<hbm>> -> memref<503808x128xi32, #tpu.memory_space<hbm>>
    tpu.enqueue_indirect_dma source(%dma_start3A_61 : memref<503808x128xi32, #tpu.memory_space<hbm>>) target(%arg11 : memref<256x128xi32, #tpu.memory_space<vmem>>) offsets(%dma_start3A_58 : memref<256xi32, #tpu.memory_space<vmem>>) semaphore(%arg13 : memref<!tpu.dma_semaphore, #tpu.memory_space<semaphore_mem>>)
    %dma_wait3A_62 = arith.constant 256 : i32
    %dma_wait3A_63 = tpu.memref_slice %arg9[%dma_wait3A_62] : memref<512xi32, #tpu.memory_space<vmem>> -> memref<256xi32, #tpu.memory_space<vmem>>
    %dma_wait3A_64 = arith.constant 0 : i32
    %dma_wait3A_65 = arith.constant 0 : i32
    %dma_wait3A_66 = tpu.memref_slice %arg5[%dma_wait3A_64, %dma_wait3A_65] : memref<503808x128xi32, #tpu.memory_space<hbm>> -> memref<503808x128xi32, #tpu.memory_space<hbm>>
    tpu.wait_indirect_dma semaphore(%arg13 : memref<!tpu.dma_semaphore, #tpu.memory_space<semaphore_mem>>) src(%dma_wait3A_66 : memref<503808x128xi32, #tpu.memory_space<hbm>>) dst(%arg11 : memref<256x128xi32, #tpu.memory_space<vmem>>)
    %add3A_67 = arith.constant 256 : i32
    %add3A_68 = arith.addi %mul3A_2, %add3A_67 : i32
    %dma_start3A_69 = arith.constant 0 : i32
    %dma_start3A_70 = tpu.memref_slice %arg7[%add3A_68, %dma_start3A_69] : memref<16384x128xi32, #tpu.memory_space<hbm>> -> memref<256x128xi32, #tpu.memory_space<hbm>>
    %dma_start3A_71 = arith.constant 0 : i32
    %dma_start3A_72 = tpu.memref_slice %arg7[%add3A_68, %dma_start3A_71] : memref<16384x128xi32, #tpu.memory_space<hbm>> -> memref<256x128xi32, #tpu.memory_space<hbm>>
    tpu.enqueue_dma source(%arg11 : memref<256x128xi32, #tpu.memory_space<vmem>>) target(%dma_start3A_72 : memref<256x128xi32, #tpu.memory_space<hbm>>) target_semaphore(%arg13 : memref<!tpu.dma_semaphore, #tpu.memory_space<semaphore_mem>>)
    %dma_wait3A_73 = arith.constant 0 : i32
    %dma_wait3A_74 = tpu.memref_slice %arg6[%add3A_48, %dma_wait3A_73] : memref<16384x128xi32, #tpu.memory_space<hbm>> -> memref<256x128xi32, #tpu.memory_space<hbm>>
    %dma_wait3A_75 = arith.constant 0 : i32
    %dma_wait3A_76 = tpu.memref_slice %arg6[%add3A_48, %dma_wait3A_75] : memref<16384x128xi32, #tpu.memory_space<hbm>> -> memref<256x128xi32, #tpu.memory_space<hbm>>
    tpu.wait_dma2 semaphore(%arg12 : memref<!tpu.dma_semaphore, #tpu.memory_space<semaphore_mem>>) src(%arg10 : memref<256x128xi32, #tpu.memory_space<vmem>>) dst(%dma_wait3A_76 : memref<256x128xi32, #tpu.memory_space<hbm>>)
    %dma_wait3A_77 = arith.constant 0 : i32
    %dma_wait3A_78 = tpu.memref_slice %arg7[%add3A_68, %dma_wait3A_77] : memref<16384x128xi32, #tpu.memory_space<hbm>> -> memref<256x128xi32, #tpu.memory_space<hbm>>
    %dma_wait3A_79 = arith.constant 0 : i32
    %dma_wait3A_80 = tpu.memref_slice %arg7[%add3A_68, %dma_wait3A_79] : memref<16384x128xi32, #tpu.memory_space<hbm>> -> memref<256x128xi32, #tpu.memory_space<hbm>>
    tpu.wait_dma2 semaphore(%arg13 : memref<!tpu.dma_semaphore, #tpu.memory_space<semaphore_mem>>) src(%arg11 : memref<256x128xi32, #tpu.memory_space<vmem>>) dst(%dma_wait3A_80 : memref<256x128xi32, #tpu.memory_space<hbm>>)
    return
  }
}

module attributes {stable_mosaic.version = 14 : i64} {
  func.func @_reformat_body(%arg0: i32, %arg1: memref<64x24576xf32, #tpu.memory_space<vmem>>, %arg2: memref<64x24576xf32, #tpu.memory_space<vmem>>, %arg3: memref<64x64xf32, #tpu.memory_space<vmem>>, %arg4: memref<12288x128xi32, #tpu.memory_space<vmem>>) attributes {dimension_semantics = [#tpu.dimension_semantics<arbitrary>], iteration_bounds = array<i64: 41>, scalar_prefetch = 0 : i64, scratch_operands = 0 : i64, tpu.core_type = #tpu.core_type<tc>, window_params = [{transform_indices = @transform_0, window_bounds = array<i64: 64, 24576>}, {transform_indices = @transform_1, window_bounds = array<i64: 64, 24576>}, {pipeline_mode = #tpu.pipeline_mode<synchronous>, transform_indices = @transform_2, window_bounds = array<i64: 64, 64>}, {transform_indices = @transform_3, window_bounds = array<i64: 12288, 128>}]} {
    %get3A = arith.constant 0 : index
    %get3A_0 = arith.constant 0 : index
    %get3A_1 = vector.load %arg1[%get3A, %get3A_0] : memref<64x24576xf32, #tpu.memory_space<vmem>>, vector<64x24576xf32>
    %get3A_2 = arith.constant 0 : index
    %get3A_3 = arith.constant 0 : index
    %get3A_4 = vector.load %arg3[%get3A_2, %get3A_3] : memref<64x64xf32, #tpu.memory_space<vmem>>, vector<64x64xf32>
    %dot_general3A = arith.constant dense<0.000000e+00> : vector<24576x64xf32>
    %dot_general3A_5 = tpu.matmul %get3A_1, %get3A_4, %dot_general3A {dimension_numbers = #tpu.dot_dimension_numbers<[0], [0], [1], [1], [0, 1, 1, 1], [], []>, transpose_lhs_hint = false} : vector<64x24576xf32>, vector<64x64xf32>, vector<24576x64xf32> -> vector<24576x64xf32>
    %convert_element_type3A = arith.truncf %dot_general3A_5 : vector<24576x64xf32> to vector<24576x64xbf16>
    %slice3A = vector.extract_strided_slice %convert_element_type3A {offsets = [0, 0], sizes = [12288, 64], strides = [1, 1]} : vector<24576x64xbf16> to vector<12288x64xbf16>
    %bitcast_convert_type3A = tpu.bitcast %slice3A : vector<12288x64xbf16> -> vector<12288x64xi16>
    %convert_element_type3A_6 = arith.extsi %bitcast_convert_type3A : vector<12288x64xi16> to vector<12288x64xi32>
    %slice3A_7 = vector.extract_strided_slice %convert_element_type3A {offsets = [12288, 0], sizes = [12288, 64], strides = [1, 1]} : vector<24576x64xbf16> to vector<12288x64xbf16>
    %bitcast_convert_type3A_8 = tpu.bitcast %slice3A_7 : vector<12288x64xbf16> -> vector<12288x64xi16>
    %convert_element_type3A_9 = arith.extsi %bitcast_convert_type3A_8 : vector<12288x64xi16> to vector<12288x64xi32>
    %shift_left3A = arith.constant 16 : i32
    %shift_left3A_10 = vector.broadcast %shift_left3A : i32 to vector<12288x64xi32>
    %shift_left3A_11 = arith.shli %convert_element_type3A_9, %shift_left3A_10 : vector<12288x64xi32>
    %and3A = arith.constant 65535 : i32
    %and3A_12 = vector.broadcast %and3A : i32 to vector<12288x64xi32>
    %and3A_13 = arith.andi %convert_element_type3A_6, %and3A_12 : vector<12288x64xi32>
    %or3A = arith.ori %shift_left3A_11, %and3A_13 : vector<12288x64xi32>
    %swap3A = arith.constant 0 : index
    %swap3A_14 = arith.constant 0 : index
    %swap3A_15 = vector.load %arg4[%swap3A, %swap3A_14] : memref<12288x128xi32, #tpu.memory_space<vmem>>, vector<12288x64xi32>
    tpu.vector_store %arg4[%swap3A, %swap3A_14], %or3A {strides = array<i32>} : memref<12288x128xi32, #tpu.memory_space<vmem>>, vector<12288x64xi32>,
    %iota3A = tpu.iota {dimensions = array<i32: 0>} : vector<64x64xi32>
    %iota3A_16 = tpu.iota {dimensions = array<i32: 1>} : vector<64x64xi32>
    %eq3A = arith.cmpi eq, %iota3A, %iota3A_16 : vector<64x64xi32>
    %convert_element_type3A_17 = arith.extui %eq3A : vector<64x64xi1> to vector<64x64xi32>
    %convert_element_type3A_18 = arith.sitofp %convert_element_type3A_17 : vector<64x64xi32> to vector<64x64xf32>
    %get3A_19 = arith.constant 0 : index
    %get3A_20 = arith.constant 0 : index
    %get3A_21 = vector.load %arg2[%get3A_19, %get3A_20] : memref<64x24576xf32, #tpu.memory_space<vmem>>, vector<64x24576xf32>
    %dot_general3A_22 = arith.constant dense<0.000000e+00> : vector<24576x64xf32>
    %dot_general3A_23 = tpu.matmul %get3A_21, %convert_element_type3A_18, %dot_general3A_22 {dimension_numbers = #tpu.dot_dimension_numbers<[0], [0], [1], [1], [0, 1, 1, 1], [], []>, transpose_lhs_hint = false} : vector<64x24576xf32>, vector<64x64xf32>, vector<24576x64xf32> -> vector<24576x64xf32>
    %convert_element_type3A_24 = arith.truncf %dot_general3A_23 : vector<24576x64xf32> to vector<24576x64xbf16>
    %slice3A_25 = vector.extract_strided_slice %convert_element_type3A_24 {offsets = [0, 0], sizes = [12288, 64], strides = [1, 1]} : vector<24576x64xbf16> to vector<12288x64xbf16>
    %bitcast_convert_type3A_26 = tpu.bitcast %slice3A_25 : vector<12288x64xbf16> -> vector<12288x64xi16>
    %convert_element_type3A_27 = arith.extsi %bitcast_convert_type3A_26 : vector<12288x64xi16> to vector<12288x64xi32>
    %slice3A_28 = vector.extract_strided_slice %convert_element_type3A_24 {offsets = [12288, 0], sizes = [12288, 64], strides = [1, 1]} : vector<24576x64xbf16> to vector<12288x64xbf16>
    %bitcast_convert_type3A_29 = tpu.bitcast %slice3A_28 : vector<12288x64xbf16> -> vector<12288x64xi16>
    %convert_element_type3A_30 = arith.extsi %bitcast_convert_type3A_29 : vector<12288x64xi16> to vector<12288x64xi32>
    %shift_left3A_31 = arith.constant 16 : i32
    %shift_left3A_32 = vector.broadcast %shift_left3A_31 : i32 to vector<12288x64xi32>
    %shift_left3A_33 = arith.shli %convert_element_type3A_30, %shift_left3A_32 : vector<12288x64xi32>
    %and3A_34 = arith.constant 65535 : i32
    %and3A_35 = vector.broadcast %and3A_34 : i32 to vector<12288x64xi32>
    %and3A_36 = arith.andi %convert_element_type3A_27, %and3A_35 : vector<12288x64xi32>
    %or3A_37 = arith.ori %shift_left3A_33, %and3A_36 : vector<12288x64xi32>
    %swap3A_38 = arith.constant 0 : index
    %swap3A_39 = arith.constant 64 : index
    %swap3A_40 = vector.load %arg4[%swap3A_38, %swap3A_39] : memref<12288x128xi32, #tpu.memory_space<vmem>>, vector<12288x64xi32>
    tpu.vector_store %arg4[%swap3A_38, %swap3A_39], %or3A_37 {strides = array<i32>} : memref<12288x128xi32, #tpu.memory_space<vmem>>, vector<12288x64xi32>,
    return
  }
  func.func @transform_0(%arg0: i32) -> (i32, i32) {
    %c0_i32 = arith.constant 0 : i32
    %c0_i32_0 = arith.constant 0 : i32
    return %c0_i32, %arg0 : i32, i32
  }
  func.func @transform_1(%arg0: i32) -> (i32, i32) {
    %c0_i32 = arith.constant 0 : i32
    %c0_i32_0 = arith.constant 0 : i32
    return %c0_i32, %arg0 : i32, i32
  }
  func.func @transform_2(%arg0: i32) -> (i32, i32) {
    %c0_i32 = arith.constant 0 : i32
    %c0_i32_0 = arith.constant 0 : i32
    %c0_i32_1 = arith.constant 0 : i32
    return %c0_i32, %c0_i32_0 : i32, i32
  }
  func.func @transform_3(%arg0: i32) -> (i32, i32) {
    %c0_i32 = arith.constant 0 : i32
    %c0_i32_0 = arith.constant 0 : i32
    return %arg0, %c0_i32 : i32, i32
  }
}

module attributes {stable_mosaic.version = 14 : i64} {
  func.func @_mlp_body(%arg0: i32, %arg1: memref<2048x128xi32, #tpu.memory_space<vmem>>, %arg2: memref<2048x1xi32, #tpu.memory_space<vmem>>, %arg3: memref<2048x128xi32, #tpu.memory_space<vmem>>, %arg4: memref<2048x1xi32, #tpu.memory_space<vmem>>, %arg5: memref<1x64xf32, #tpu.memory_space<vmem>>, %arg6: memref<64x32xf32, #tpu.memory_space<vmem>>, %arg7: memref<1x32xf32, #tpu.memory_space<vmem>>, %arg8: memref<32x16xf32, #tpu.memory_space<vmem>>, %arg9: memref<1x16xf32, #tpu.memory_space<vmem>>, %arg10: memref<16x1xf32, #tpu.memory_space<vmem>>, %arg11: memref<64x1xf32, #tpu.memory_space<vmem>>, %arg12: memref<1x1xf32, #tpu.memory_space<vmem>>, %arg13: memref<2048x1xf32, #tpu.memory_space<vmem>>) attributes {dimension_semantics = [#tpu.dimension_semantics<arbitrary>], iteration_bounds = array<i64: 8>, scalar_prefetch = 0 : i64, scratch_operands = 0 : i64, tpu.core_type = #tpu.core_type<tc>, window_params = [{transform_indices = @transform_0, window_bounds = array<i64: 2048, 128>}, {transform_indices = @transform_1, window_bounds = array<i64: 2048, 1>}, {transform_indices = @transform_2, window_bounds = array<i64: 2048, 128>}, {transform_indices = @transform_3, window_bounds = array<i64: 2048, 1>}, {pipeline_mode = #tpu.pipeline_mode<synchronous>, transform_indices = @transform_4, window_bounds = array<i64: 1, 64>}, {pipeline_mode = #tpu.pipeline_mode<synchronous>, transform_indices = @transform_5, window_bounds = array<i64: 64, 32>}, {pipeline_mode = #tpu.pipeline_mode<synchronous>, transform_indices = @transform_6, window_bounds = array<i64: 1, 32>}, {pipeline_mode = #tpu.pipeline_mode<synchronous>, transform_indices = @transform_7, window_bounds = array<i64: 32, 16>}, {pipeline_mode = #tpu.pipeline_mode<synchronous>, transform_indices = @transform_8, window_bounds = array<i64: 1, 16>}, {pipeline_mode = #tpu.pipeline_mode<synchronous>, transform_indices = @transform_9, window_bounds = array<i64: 16, 1>}, {pipeline_mode = #tpu.pipeline_mode<synchronous>, transform_indices = @transform_10, window_bounds = array<i64: 64, 1>}, {pipeline_mode = #tpu.pipeline_mode<synchronous>, transform_indices = @transform_11, window_bounds = array<i64: 1, 1>}, {transform_indices = @transform_12, window_bounds = array<i64: 2048, 1>}]} {
    %get3A = arith.constant 0 : index
    %get3A_0 = arith.constant 0 : index
    %get3A_1 = vector.load %arg1[%get3A, %get3A_0] : memref<2048x128xi32, #tpu.memory_space<vmem>>, vector<2048x128xi32>
    %get3A_2 = arith.constant 0 : index
    %get3A_3 = arith.constant 0 : index
    %get3A_4 = vector.load %arg2[%get3A_2, %get3A_3] : memref<2048x1xi32, #tpu.memory_space<vmem>>, vector<2048x1xi32>
    %shift_left3A = arith.constant 16 : i32
    %shift_left3A_5 = vector.broadcast %shift_left3A : i32 to vector<2048x128xi32>
    %shift_left3A_6 = arith.shli %get3A_1, %shift_left3A_5 : vector<2048x128xi32>
    %bitcast_convert_type3A = tpu.bitcast %shift_left3A_6 : vector<2048x128xi32> -> vector<2048x128xf32>
    %and3A = arith.constant -65536 : i32
    %and3A_7 = vector.broadcast %and3A : i32 to vector<2048x128xi32>
    %and3A_8 = arith.andi %get3A_1, %and3A_7 : vector<2048x128xi32>
    %bitcast_convert_type3A_9 = tpu.bitcast %and3A_8 : vector<2048x128xi32> -> vector<2048x128xf32>
    %ne3A = arith.constant 0 : i32
    %ne3A_10 = vector.broadcast %ne3A : i32 to vector<2048x1xi32>
    %ne3A_11 = arith.cmpi ne, %get3A_4, %ne3A_10 : vector<2048x1xi32>
    %broadcast_in_dim3A = vector.shape_cast %ne3A_11 : vector<2048x1xi1> to vector<2048x1xi1>
    %broadcast_in_dim3A_12 = vector.broadcast %broadcast_in_dim3A : vector<2048x1xi1> to vector<2048x128xi1>
    %select_n3A = arith.select %broadcast_in_dim3A_12, %bitcast_convert_type3A_9, %bitcast_convert_type3A : vector<2048x128xi1>, vector<2048x128xf32>
    %get3A_13 = arith.constant 0 : index
    %get3A_14 = arith.constant 0 : index
    %get3A_15 = vector.load %arg3[%get3A_13, %get3A_14] : memref<2048x128xi32, #tpu.memory_space<vmem>>, vector<2048x128xi32>
    %get3A_16 = arith.constant 0 : index
    %get3A_17 = arith.constant 0 : index
    %get3A_18 = vector.load %arg4[%get3A_16, %get3A_17] : memref<2048x1xi32, #tpu.memory_space<vmem>>, vector<2048x1xi32>
    %shift_left3A_19 = arith.constant 16 : i32
    %shift_left3A_20 = vector.broadcast %shift_left3A_19 : i32 to vector<2048x128xi32>
    %shift_left3A_21 = arith.shli %get3A_15, %shift_left3A_20 : vector<2048x128xi32>
    %bitcast_convert_type3A_22 = tpu.bitcast %shift_left3A_21 : vector<2048x128xi32> -> vector<2048x128xf32>
    %and3A_23 = arith.constant -65536 : i32
    %and3A_24 = vector.broadcast %and3A_23 : i32 to vector<2048x128xi32>
    %and3A_25 = arith.andi %get3A_15, %and3A_24 : vector<2048x128xi32>
    %bitcast_convert_type3A_26 = tpu.bitcast %and3A_25 : vector<2048x128xi32> -> vector<2048x128xf32>
    %ne3A_27 = arith.constant 0 : i32
    %ne3A_28 = vector.broadcast %ne3A_27 : i32 to vector<2048x1xi32>
    %ne3A_29 = arith.cmpi ne, %get3A_18, %ne3A_28 : vector<2048x1xi32>
    %broadcast_in_dim3A_30 = vector.shape_cast %ne3A_29 : vector<2048x1xi1> to vector<2048x1xi1>
    %broadcast_in_dim3A_31 = vector.broadcast %broadcast_in_dim3A_30 : vector<2048x1xi1> to vector<2048x128xi1>
    %select_n3A_32 = arith.select %broadcast_in_dim3A_31, %bitcast_convert_type3A_26, %bitcast_convert_type3A_22 : vector<2048x128xi1>, vector<2048x128xf32>
    %slice3A = vector.extract_strided_slice %select_n3A {offsets = [0, 0], sizes = [2048, 64], strides = [1, 1]} : vector<2048x128xf32> to vector<2048x64xf32>
    %slice3A_33 = vector.extract_strided_slice %select_n3A_32 {offsets = [0, 0], sizes = [2048, 64], strides = [1, 1]} : vector<2048x128xf32> to vector<2048x64xf32>
    %add3A = arith.addf %slice3A, %slice3A_33 : vector<2048x64xf32>
    %get3A_34 = arith.constant 0 : index
    %get3A_35 = arith.constant 0 : index
    %get3A_36 = vector.load %arg5[%get3A_34, %get3A_35] : memref<1x64xf32, #tpu.memory_space<vmem>>, vector<1x64xf32>
    %add3A_37 = vector.broadcast %get3A_36 : vector<1x64xf32> to vector<2048x64xf32>
    %add3A_38 = arith.addf %add3A, %add3A_37 : vector<2048x64xf32>
    %max3A = arith.constant 0.000000e+00 : f32
    %max3A_39 = vector.broadcast %max3A : f32 to vector<2048x64xf32>
    %max3A_40 = arith.maximumf %add3A_38, %max3A_39 : vector<2048x64xf32>
    %get3A_41 = arith.constant 0 : index
    %get3A_42 = arith.constant 0 : index
    %get3A_43 = vector.load %arg6[%get3A_41, %get3A_42] : memref<64x32xf32, #tpu.memory_space<vmem>>, vector<64x32xf32>
    %dot_general3A = arith.constant dense<0.000000e+00> : vector<2048x32xf32>
    %dot_general3A_44 = tpu.matmul %max3A_40, %get3A_43, %dot_general3A {dimension_numbers = #tpu.dot_dimension_numbers<[1], [0], [0], [1], [0, 0, 1, 1], [], []>, transpose_lhs_hint = false} : vector<2048x64xf32>, vector<64x32xf32>, vector<2048x32xf32> -> vector<2048x32xf32>
    %get3A_45 = arith.constant 0 : index
    %get3A_46 = arith.constant 0 : index
    %get3A_47 = vector.load %arg7[%get3A_45, %get3A_46] : memref<1x32xf32, #tpu.memory_space<vmem>>, vector<1x32xf32>
    %add3A_48 = vector.broadcast %get3A_47 : vector<1x32xf32> to vector<2048x32xf32>
    %add3A_49 = arith.addf %dot_general3A_44, %add3A_48 : vector<2048x32xf32>
    %max3A_50 = arith.constant 0.000000e+00 : f32
    %max3A_51 = vector.broadcast %max3A_50 : f32 to vector<2048x32xf32>
    %max3A_52 = arith.maximumf %add3A_49, %max3A_51 : vector<2048x32xf32>
    %get3A_53 = arith.constant 0 : index
    %get3A_54 = arith.constant 0 : index
    %get3A_55 = vector.load %arg8[%get3A_53, %get3A_54] : memref<32x16xf32, #tpu.memory_space<vmem>>, vector<32x16xf32>
    %dot_general3A_56 = arith.constant dense<0.000000e+00> : vector<2048x16xf32>
    %dot_general3A_57 = tpu.matmul %max3A_52, %get3A_55, %dot_general3A_56 {dimension_numbers = #tpu.dot_dimension_numbers<[1], [0], [0], [1], [0, 0, 1, 1], [], []>, transpose_lhs_hint = false} : vector<2048x32xf32>, vector<32x16xf32>, vector<2048x16xf32> -> vector<2048x16xf32>
    %get3A_58 = arith.constant 0 : index
    %get3A_59 = arith.constant 0 : index
    %get3A_60 = vector.load %arg9[%get3A_58, %get3A_59] : memref<1x16xf32, #tpu.memory_space<vmem>>, vector<1x16xf32>
    %add3A_61 = vector.broadcast %get3A_60 : vector<1x16xf32> to vector<2048x16xf32>
    %add3A_62 = arith.addf %dot_general3A_57, %add3A_61 : vector<2048x16xf32>
    %max3A_63 = arith.constant 0.000000e+00 : f32
    %max3A_64 = vector.broadcast %max3A_63 : f32 to vector<2048x16xf32>
    %max3A_65 = arith.maximumf %add3A_62, %max3A_64 : vector<2048x16xf32>
    %slice3A_66 = vector.extract_strided_slice %select_n3A {offsets = [0, 64], sizes = [2048, 64], strides = [1, 1]} : vector<2048x128xf32> to vector<2048x64xf32>
    %slice3A_67 = vector.extract_strided_slice %select_n3A_32 {offsets = [0, 64], sizes = [2048, 64], strides = [1, 1]} : vector<2048x128xf32> to vector<2048x64xf32>
    %mul3A = arith.mulf %slice3A_66, %slice3A_67 : vector<2048x64xf32>
    %get3A_68 = arith.constant 0 : index
    %get3A_69 = arith.constant 0 : index
    %get3A_70 = vector.load %arg10[%get3A_68, %get3A_69] : memref<16x1xf32, #tpu.memory_space<vmem>>, vector<16x1xf32>
    %dot_general3A_71 = arith.constant dense<0.000000e+00> : vector<2048x1xf32>
    %dot_general3A_72 = tpu.matmul %max3A_65, %get3A_70, %dot_general3A_71 {dimension_numbers = #tpu.dot_dimension_numbers<[1], [0], [0], [1], [0, 0, 1, 1], [], []>, transpose_lhs_hint = false} : vector<2048x16xf32>, vector<16x1xf32>, vector<2048x1xf32> -> vector<2048x1xf32>
    %get3A_73 = arith.constant 0 : index
    %get3A_74 = arith.constant 0 : index
    %get3A_75 = vector.load %arg11[%get3A_73, %get3A_74] : memref<64x1xf32, #tpu.memory_space<vmem>>, vector<64x1xf32>
    %dot_general3A_76 = arith.constant dense<0.000000e+00> : vector<2048x1xf32>
    %dot_general3A_77 = tpu.matmul %mul3A, %get3A_75, %dot_general3A_76 {dimension_numbers = #tpu.dot_dimension_numbers<[1], [0], [0], [1], [0, 0, 1, 1], [], []>, transpose_lhs_hint = false} : vector<2048x64xf32>, vector<64x1xf32>, vector<2048x1xf32> -> vector<2048x1xf32>
    %add3A_78 = arith.addf %dot_general3A_72, %dot_general3A_77 : vector<2048x1xf32>
    %get3A_79 = arith.constant 0 : index
    %get3A_80 = arith.constant 0 : index
    %get3A_81 = vector.load %arg12[%get3A_79, %get3A_80] : memref<1x1xf32, #tpu.memory_space<vmem>>, vector<1x1xf32>
    %add3A_82 = vector.broadcast %get3A_81 : vector<1x1xf32> to vector<2048x1xf32>
    %add3A_83 = arith.addf %add3A_78, %add3A_82 : vector<2048x1xf32>
    %logistic3A = arith.negf %add3A_83 : vector<2048x1xf32>
    %logistic3A_84 = math.exp %logistic3A : vector<2048x1xf32>
    %logistic3A_85 = arith.constant 1.000000e+00 : f32
    %logistic3A_86 = vector.broadcast %logistic3A_85 : f32 to vector<2048x1xf32>
    %logistic3A_87 = arith.addf %logistic3A_86, %logistic3A_84 : vector<2048x1xf32>
    %logistic3A_88 = arith.divf %logistic3A_86, %logistic3A_87 : vector<2048x1xf32>
    %swap3A = arith.constant 0 : index
    %swap3A_89 = arith.constant 0 : index
    %swap3A_90 = vector.load %arg13[%swap3A, %swap3A_89] : memref<2048x1xf32, #tpu.memory_space<vmem>>, vector<2048x1xf32>
    tpu.vector_store %arg13[%swap3A, %swap3A_89], %logistic3A_88 {strides = array<i32>} : memref<2048x1xf32, #tpu.memory_space<vmem>>, vector<2048x1xf32>,
    return
  }
  func.func @transform_0(%arg0: i32) -> (i32, i32) {
    %c0_i32 = arith.constant 0 : i32
    %c0_i32_0 = arith.constant 0 : i32
    return %arg0, %c0_i32 : i32, i32
  }
  func.func @transform_1(%arg0: i32) -> (i32, i32) {
    %c0_i32 = arith.constant 0 : i32
    %c0_i32_0 = arith.constant 0 : i32
    return %arg0, %c0_i32 : i32, i32
  }
  func.func @transform_2(%arg0: i32) -> (i32, i32) {
    %c0_i32 = arith.constant 0 : i32
    %c0_i32_0 = arith.constant 0 : i32
    return %arg0, %c0_i32 : i32, i32
  }
  func.func @transform_3(%arg0: i32) -> (i32, i32) {
    %c0_i32 = arith.constant 0 : i32
    %c0_i32_0 = arith.constant 0 : i32
    return %arg0, %c0_i32 : i32, i32
  }
  func.func @transform_4(%arg0: i32) -> (i32, i32) {
    %c0_i32 = arith.constant 0 : i32
    %c0_i32_0 = arith.constant 0 : i32
    %c0_i32_1 = arith.constant 0 : i32
    return %c0_i32, %c0_i32_0 : i32, i32
  }
  func.func @transform_5(%arg0: i32) -> (i32, i32) {
    %c0_i32 = arith.constant 0 : i32
    %c0_i32_0 = arith.constant 0 : i32
    %c0_i32_1 = arith.constant 0 : i32
    return %c0_i32, %c0_i32_0 : i32, i32
  }
  func.func @transform_6(%arg0: i32) -> (i32, i32) {
    %c0_i32 = arith.constant 0 : i32
    %c0_i32_0 = arith.constant 0 : i32
    %c0_i32_1 = arith.constant 0 : i32
    return %c0_i32, %c0_i32_0 : i32, i32
  }
  func.func @transform_7(%arg0: i32) -> (i32, i32) {
    %c0_i32 = arith.constant 0 : i32
    %c0_i32_0 = arith.constant 0 : i32
    %c0_i32_1 = arith.constant 0 : i32
    return %c0_i32, %c0_i32_0 : i32, i32
  }
  func.func @transform_8(%arg0: i32) -> (i32, i32) {
    %c0_i32 = arith.constant 0 : i32
    %c0_i32_0 = arith.constant 0 : i32
    %c0_i32_1 = arith.constant 0 : i32
    return %c0_i32, %c0_i32_0 : i32, i32
  }
  func.func @transform_9(%arg0: i32) -> (i32, i32) {
    %c0_i32 = arith.constant 0 : i32
    %c0_i32_0 = arith.constant 0 : i32
    %c0_i32_1 = arith.constant 0 : i32
    return %c0_i32, %c0_i32_0 : i32, i32
  }
  func.func @transform_10(%arg0: i32) -> (i32, i32) {
    %c0_i32 = arith.constant 0 : i32
    %c0_i32_0 = arith.constant 0 : i32
    %c0_i32_1 = arith.constant 0 : i32
    return %c0_i32, %c0_i32_0 : i32, i32
  }
  func.func @transform_11(%arg0: i32) -> (i32, i32) {
    %c0_i32 = arith.constant 0 : i32
    %c0_i32_0 = arith.constant 0 : i32
    %c0_i32_1 = arith.constant 0 : i32
    return %c0_i32, %c0_i32_0 : i32, i32
  }
  func.func @transform_12(%arg0: i32) -> (i32, i32) {
    %c0_i32 = arith.constant 0 : i32
    %c0_i32_0 = arith.constant 0 : i32
    return %arg0, %c0_i32 : i32, i32
  }
}

</mosaic_0001>

<sc_bundles>
// kernel: kernel.6.cloned.1.call-start
scs
__scs_entry_jumppad:
0x0: {  	(pc) =	sbr.rel $0x88, $3  }
0x1: {  	(tag) =	ssettag $0x0;
	lr =	simm.s32 $0x1  }
0x2: {  	[smem:$0x3F93] =	sst lr;
	_ =	strace $0xD0000000  }
0x3: {  	_ = 	snop  }
0x4: {  	_ = 	snop  }
0x5: {  	_ = 	snop  }
0x6: {  	_ = 	snop  }
0x7: {  	_ = 	snop  }
__scs_overlays_trampoline_lowered:
0x8: {  	[smem:$0x3FA2] =	sst s0  }
0x9: {  	[smem:$0x3FA3] =	sst s1  }
0xa: {  	[smem:$0x3FA4] =	sst s2  }
0xb: {  	[smem:$0x3FA5] =	sst s3  }
0xc: {  	[smem:$0x3FA6] =	sst s4  }
0xd: {  	[smem:$0x3FA7] =	sst s5  }
0xe: {  	[smem:$0x3FA8] =	sst s6  }
0xf: {  	[smem:$0x3FA9] =	sst s7  }
0x10: {  	[smem:$0x3FAA] =	sst s8  }
0x11: {  	[smem:$0x3FAB] =	sst s9;
	s0 =	simm.s32 @!p0 $0x0  }
0x12: {  	s1 =	sld [smem:$0x3F91];
	s0 =	simm.s32 @p0 $0x1  }
0x13: {  	[smem:$0x3FAC] =	sst s0;
	s0 =	simm.s32 @!p1 $0x0  }
0x14: {  	s2 =	sld [smem:$0x3F90];
	s0 =	simm.s32 @p1 $0x1  }
0x15: {  	[smem:$0x3FAD] =	sst s0;
	s0 =	simm.s32 @!p2 $0x0  }
0x16: {  	s3 =	sld [smem:$0x3FDB];
	s0 =	simm.s32 @p2 $0x1  }
0x17: {  	s4 =	simm.s32 $0x1BF5;
	[smem:$0x3FAF] =	sst s0  }
0x18: {  	s0 =	sld [smem:$0x3F92];
	_ =	swait.ge [sflag:s4], $0x0  }
0x19: {  	s7 =	sld [smem:$0x3F93]  }
0x1a: {  	s8 =	sadd.s32 $0xFFFFE003, lr  }
0x1b: {  	s9 =	sadd.s32 $0xFFFFFEF7, lr;
	s5 =	simm.s32 $0xFFFFFFFF;
	p2 =	slt.u32 s8, $0xFFFFF086  }
0x1c: {  	p1 =	slt.u32 s9, $0xF7A;
	s5 =	simm.s32 @!p2 $0x0  }
0x1d: {  	s5 =	simm.s32 @p1 $0x1;
	p0 =	seq.s32 s7, s2  }
0x1e: {  	s7 =	smul.u32 @!p0 $0xF7A, s2;
	p2 =	seq.s32 @!p0 s5, $0x0  }
0x1f: {  	s9 =	smul.u32 $0xF7A, s1;
	s8 =	simm.s32 @!p0 $0x1BF5;
	p2 =	por !p2, p0  }
0x20: {  	[sflag:s8] =	ssyncset.s32 @!p0 $0xFFFFF086;
	s6 =	sadd.s32 @!p0 s3, s7;
	s7 =	simm.s32 @!p0 $0x108  }
0x21: {  	s3 =	sadd.s32 s3, s9;
	s6 =	sadd.s32 @!p0 $0x88, s6;
	s7 =	simm.s32 @p2 $0x1082  }
0x22: {  	[simem:s7], [sflag:s8] =	dma.local @!p0 [hbm:s6], $0xF7A  }
0x23: {  	s9 =	sor.u32 $0xD0000000, s2;
	s6 =	simm.s32 $0x108;
	_ =	swait.ge @!p0 [sflag:s8], $0x0  }
0x24: {  	s3 =	sadd.s32 $0x88, s3;
	s6 =	simm.s32 @!p1 $0x1082;
	[sflag:s4] =	ssyncset.s32 $0xFFFFF086  }
0x25: {  	[simem:s6], [sflag:s4] =	dma.local [hbm:s3], $0xF7A  }
0x26: {  	[smem:$0x3F93] =	sst s1;
	(tag) =	ssettag s2;
	_ =	strace s9  }
0x27: {  	s1 =	sld [smem:$0x3FA3]  }
0x28: {  	s2 =	sld [smem:$0x3FA4]  }
0x29: {  	s4 =	sld [smem:$0x3FA6]  }
0x2a: {  	p0 =	seq.s32 s5, $0x0;
	s5 =	sld [smem:$0x3FA7]  }
0x2b: {  	s6 =	sld [smem:$0x3FA8]  }
0x2c: {  	s7 =	sld [smem:$0x3FA9]  }
0x2d: {  	s3 =	simm.s32 $0x108;
	s8 =	sld [smem:$0x3FAA]  }
0x2e: {  	s3 =	simm.s32 @!p0 $0x1082;
	s9 =	sld [smem:$0x3FAB]  }
0x2f: {  	lr =	sadd.s32 s0, s3;
	s0 =	sld [smem:$0x3FA2]  }
0x30: {  	s3 =	sld [smem:$0x3FA5]  }
0x31: {  	[smem:$0x3FAE] =	sst s10  }
0x32: {  	s10 =	sld [smem:$0x3FAC];
	_ =	sdelay $0x3  }
0x33: {  	p0 =	seq.s32 s10, $0x1;
	s10 =	sld [smem:$0x3FAE];
	_ =	sdelay $0x3  }
0x34: {  	[smem:$0x3FAE] =	sst s10  }
0x35: {  	s10 =	sld [smem:$0x3FAD];
	_ =	sdelay $0x3  }
0x36: {  	p1 =	seq.s32 s10, $0x1;
	s10 =	sld [smem:$0x3FAE];
	_ =	sdelay $0x3  }
0x37: {  	[smem:$0x3FAE] =	sst s10  }
0x38: {  	s10 =	sld [smem:$0x3FAF]  }
0x39: {  	_ = 	snop;
	(pc) =	sbr.ind lr, $3  }
0x3a: {  	_ = 	snop  }
0x3b: {  	_ = 	snop  }
0x3c: {  	p2 =	seq.s32 s10, $0x1;
	s10 =	sld [smem:$0x3FAE]  }
0x3d: {  	_ =	shalt  }
0x3e: {  	_ =	shalt  }
0x3f: {  	_ =	shalt  }
0x40: {  	_ =	shalt  }
0x41: {  	_ =	shalt  }
0x42: {  	_ =	shalt  }
0x43: {  	_ =	shalt  }
0x44: {  	_ =	shalt  }
0x45: {  	_ =	shalt  }
0x46: {  	_ =	shalt  }
0x47: {  	_ =	shalt  }
0x48: {  	_ =	shalt  }
0x49: {  	_ =	shalt  }
0x4a: {  	_ =	shalt  }
0x4b: {  	_ =	shalt  }
0x4c: {  	_ =	shalt  }
0x4d: {  	_ =	shalt  }
0x4e: {  	_ =	shalt  }
0x4f: {  	_ =	shalt  }
0x50: {  	_ =	shalt  }
0x51: {  	_ =	shalt  }
0x52: {  	_ =	shalt  }
0x53: {  	_ =	shalt  }
0x54: {  	_ =	shalt  }
0x55: {  	_ =	shalt  }
0x56: {  	_ =	shalt  }
0x57: {  	_ =	shalt  }
0x58: {  	_ =	shalt  }
0x59: {  	_ =	shalt  }
0x5a: {  	_ =	shalt  }
0x5b: {  	_ =	shalt  }
0x5c: {  	_ =	shalt  }
0x5d: {  	_ =	shalt  }
0x5e: {  	_ =	shalt  }
0x5f: {  	_ =	shalt  }
0x60: {  	_ =	shalt  }
0x61: {  	_ =	shalt  }
0x62: {  	_ =	shalt  }
0x63: {  	_ =	shalt  }
0x64: {  	_ =	shalt  }
0x65: {  	_ =	shalt  }
0x66: {  	_ =	shalt  }
0x67: {  	_ =	shalt  }
0x68: {  	_ =	shalt  }
0x69: {  	_ =	shalt  }
0x6a: {  	_ =	shalt  }
0x6b: {  	_ =	shalt  }
0x6c: {  	_ =	shalt  }
0x6d: {  	_ =	shalt  }
0x6e: {  	_ =	shalt  }
0x6f: {  	_ =	shalt  }
0x70: {  	_ =	shalt  }
0x71: {  	_ =	shalt  }
0x72: {  	_ =	shalt  }
0x73: {  	_ =	shalt  }
0x74: {  	_ =	shalt  }
0x75: {  	_ =	shalt  }
0x76: {  	_ =	shalt  }
0x77: {  	_ =	shalt  }
0x78: {  	_ =	shalt  }
0x79: {  	_ =	shalt  }
0x7a: {  	_ =	shalt  }
0x7b: {  	_ =	shalt  }
0x7c: {  	_ =	shalt  }
0x7d: {  	_ =	shalt  }
0x7e: {  	_ =	shalt  }
0x7f: {  	_ =	shalt  }
0x80: {  	_ =	shalt  }
0x81: {  	_ =	shalt  }
0x82: {  	_ =	shalt  }
0x83: {  	_ =	shalt  }
0x84: {  	_ =	shalt  }
0x85: {  	_ =	shalt  }
0x86: {  	_ =	shalt  }
0x87: {  	_ =	shalt  }
.Lfunc_end0:
.L_simem_size_0:
called_computation_lowered:
.L_overlay_start_0:
0x88: {  	s2 =	sld [smem:$0x3FD9]  }
0x89: {  	s3 =	sld [smem:$0x3FFE];
	_ =	sdelay $0x1  }
0x8a: {  	s1 =	srdreg.scid  }
0x8b: {  	s0 =	sand.u32 $0x1, s1  }
0x8c: {  	s16 =	sshll.u32 s0, $0xA;
	s2 =	sadd.s32 s3, s2  }
0x8d: {  	s2 =	sadd.s32 s2, s16  }
0x8e: {  	[smem:$0x3FBA] =	sst s2  }
0x8f: {  	_ = 	snop  }
0x90: {  	(tm) =	ssettm $0x1  }
0x91: {  	s17 =	sld [smem:$0x3FFB];
	_ =	sdelay $0x3  }
0x92: {  	_ =	strace s17  }
0x93: {  	s2 =	sld [smem:$0x3FFC];
	_ =	sdelay $0x3  }
0x94: {  	_ =	strace s2  }
0x95: {  	s2 =	sld [smem:$0x3FFD];
	_ =	sdelay $0x3  }
0x96: {  	_ =	strace s2  }
0x97: {  	_ =	strace $0x8FFFFFFF  }
0x98: {  	s18 =	sld [smem:$0x3FDB];
	_ =	sdelay $0x1  }
0x99: {  	s19 =	simm.s32 $_scs_section_size  }
0x9a: {  	s4 =	simm.s32 $_size__tile_overlayer_lowered;
	s5 =	simm.s32 $_tile_overlayer_lowered  }
0x9b: {  	s22 =	simm.s32 $0x1BFF;
	s21 =	sshll.u32 s5, $0x1;
	s2 =	sadd.s32 s19, s18  }
0x9c: {  	s6 =	simm.s32 $0x0;
	s20 =	sshll.u32 s4, $0x1;
	s4 =	sadd.s32 s21, s2  }
0x9d: {  	[timem:s6], [sflag:s22] =	dma.local [hbm:s4], s20  }
0x9e: {  	_ =	swait.ge [sflag:s22], s20  }
0x9f: {  	s3 =	ssub.s32 $0x0, s20;
	[sflag:s22] =	ssyncset.done $0x0  }
0xa0: {  	[sflag:s22] =	ssyncadd.s32 s3;
	_ =	sdelay $0x1  }
0xa1: {  	s23 =	simm.s32 $0x1B8B  }
0xa2: {  	_ =	swait.ge [sflag:s23], $0x1  }
0xa3: {  	[sflag:s23] =	ssyncset.done $0x0  }
0xa4: {  	s25 =	simm.s32 $0x1B8E;
	s24 =	sld [smem:$0x3FFE];
	[sflag:s23] =	ssyncadd.s32 $0xFFFFFFFF  }
0xa5: {  	s26 =	simm.s32 $execute0_lowered;
	[smem:$0x3FD2] =	sst s25  }
0xa6: {  	s4 =	sshll.u32 s26, $0x1;
	_ =	strace $0x80000046;
	[dreg:$0x1] =	wrdreg $0xFFFFFFFF  }
0xa7: {  	s28 =	simm.s32 $_size_execute0_lowered;
	s2 =	sadd.s32 s2, s4;
	[dreg:$0x0] =	wrdreg $0x0  }
0xa8: {  	s4 =	sshll.u32 s28, $0x1;
	[dreg:$0x2] =	wrdreg s2  }
0xa9: {  	[dreg:$0x3] =	wrdreg s4  }
0xaa: {  	[dreg:$0x4] =	wrdreg $0xC0  }
0xab: {  	_ =	task [dreg:s6], $0x5FFFF  }
0xac: {  	[dreg:$0x1] =	wrdreg $0xFFFFFFFF  }
0xad: {  	[dreg:$0x0] =	wrdreg $0x60  }
0xae: {  	[dreg:$0x2] =	wrdreg s24  }
0xaf: {  	[dreg:$0x3] =	wrdreg $0x9  }
0xb0: {  	_ =	task.clear_ibuf [dreg:s6], $0x4FFFF;
	_ =	strace $0x90000046  }
0xb1: {  	s29 =	simm.s32 $0x9;
	_ =	strace $0x80000048  }
0xb2: {  	_ =	swait.ge [sflag:s29], $0x1  }
0xb3: {  	[sflag:s29] =	ssyncadd.s32 $0xFFFFFFFF  }
0xb4: {  	_ =	strace $0x90000048  }
0xb5: {  	_ =	sfence  }
0xb6: {  	s30 =	sld [smem:$0x0];
	_ =	sdelay $0x2  }
0xb7: {  	s31 =	sshll.u32 s1, $0xD;
	s1 =	sshrl.u32 s1, $0x2  }
0xb8: {  	s3 =	sand.u32 $0x4000, s31;
	s1 =	sadd.s32 s1, s30  }
0xb9: {  	s0 =	sor.u32 s3, s0;
	s1 =	sshll.u32 s1, $0x11  }
0xba: {  	s0 =	sor.u32 s1, s0  }
0xbb: {  	s0 =	sadd.s32 $0x8F2B, s0  }
0xbc: {  	[sflag:s0] =	ssyncadd.remote.s32 $0x1  }
0xbd: {  	_ =	sfence.sel $0xFFFF  }
0xbe: {  	[dreg:$0x0] =	wrdreg $0xFFFFFFFF;
	(pc) =	sbr.abs _section_cstart, $3  }
0xbf: {  	[dreg:$0x1] =	wrdreg $0xFFFFFFFF  }
0xc0: {  	_ =	task.clear_ibuf [dreg:s6], $0x2FFFF;
	_ =	strace $0x9FFFFFFF  }
0xc1: {  	(tm) =	ssettm $0x7FFFFFFF  }
tec
execute0_lowered:
.L_overlay_start_1:
0x0: {  	(tag) =	ssettag $0x1  }
0x1: {  	s1 =	srdreg.scid  }
0x2: {  	s0 =	stileid.u32;
	s18 =	sand.u32 $0x1, s1  }
0x3: {  	s30 =	sshll.u32 s0, $0xA;
	s2 =	sshll.u32 s18, $0x9  }
0x4: {  	s11 =	sor.u32 s2, s30  }
0x5: {  	s15 =	rddreg [dreg:$0x0];
	s2 =	simm.s32 $0x0;
	s3 =	sshrl.u32 s11, $0x3  }
0x6: {  	s4 =	simm.s32 $0x3;
	[smem:$0x7FF] =	sst s2;
	s5 =	sadd.s32 s3, s15  }
0x7: {  	s1 =	rddreg [dreg:$0x1];
	_ =	strace $0x80000047;
	s3 =	sadd.s32 $0x3600, s5  }
0x8: {  	[tilespmem:s2], [sflag:$0x3] =	stream.linear.gather [hbm4b:s3+s2], $0x200, $0x38;
	[tilespmem:$0x10400] =	vst v63  }
0x9: {  	_ =	swait.ge [sflag:s4], $0x200  }
0xa: {  	[sflag:s4] =	ssyncset.done $0x0  }
0xb: {  	s6 =	simm.s32 $0x200;
	s5 =	sadd.s32 $0x2E00, s5;
	[sflag:s4] =	ssyncadd.s32 $0xFFFFFE00  }
0xc: {  	[tilespmem:s6], [sflag:$0x3] =	stream.linear.gather [hbm4b:s5+s2], $0x200, $0x38;
	[tilespmem:$0x10400] =	vst v63  }
0xd: {  	_ =	swait.ge [sflag:s4], $0x200  }
0xe: {  	s8 =	simm.s32 $0x100;
	s9 =	simm.s32 $0x400;
	[sflag:s4] =	ssyncset.done $0x0  }
0xf: {  	s10 =	simm.s32 $0x1;
	s7 =	sadd.s32 $0x3E00, s15;
	[sflag:s4] =	ssyncadd.s32 $0xFFFFFE00  }
0x10: {  	[tilespmem:s9], [sflag:$0x1] =	stream.indirect.gather [hbm4b:s7+s8], $0x80, s2, s8, $0xb8;
	[tilespmem:$0x10400] =	vst v63  }
0x11: {  	_ =	swait.ge [sflag:s10], $0x8000  }
0x12: {  	s16 =	sadd.s32 $0xF63E00, s15;
	s17 =	sshll.u32 s11, $0x4;
	[sflag:s10] =	ssyncset.done $0x0  }
0x13: {  	s11 =	sadd.s32 s16, s17;
	[sflag:s10] =	ssyncadd.s32 $0xFFFF8000  }
0x14: {  	[hbm4b:s11+s2] =	stream.linear.scatter [tilespmem:s9], [sflag:$0x1], $0x8000, $0x38;
	[tilespmem:$0x10400] =	vst v63  }
0x15: {  	s14 =	simm.s32 $0x8400;
	s13 =	simm.s32 $0x2;
	s12 =	sadd.s32 $0x7B3E00, s15  }
0x16: {  	[tilespmem:s14], [sflag:$0x2] =	stream.indirect.gather [hbm4b:s12+s8], $0x80, s6, s8, $0xb8;
	[tilespmem:$0x10400] =	vst v63  }
0x17: {  	_ =	swait.ge [sflag:s13], $0x8000  }
0x18: {  	s19 =	sadd.s32 $0xFA3E00, s15;
	[sflag:s13] =	ssyncset.done $0x0  }
0x19: {  	s15 =	sadd.s32 s19, s17;
	[sflag:s13] =	ssyncadd.s32 $0xFFFF8000  }
0x1a: {  	[hbm4b:s15+s2] =	stream.linear.scatter [tilespmem:s14], [sflag:$0x2], $0x8000, $0x38;
	[tilespmem:$0x10400] =	vst v63  }
0x1b: {  	_ =	swait.ge [sflag:s10], $0x8000  }
0x1c: {  	[sflag:s10] =	ssyncset.done $0x0  }
0x1d: {  	[sflag:s10] =	ssyncadd.s32 $0xFFFF8000  }
0x1e: {  	[tilespmem:s9], [sflag:$0x1] =	stream.indirect.gather [hbm4b:s7+s8], $0x80, s8, s8, $0xb8;
	[tilespmem:$0x10400] =	vst v63  }
0x1f: {  	_ =	swait.ge [sflag:s10], $0x8000  }
0x20: {  	s20 =	sor.u32 $0x1000, s17;
	[sflag:s10] =	ssyncset.done $0x0  }
0x21: {  	s16 =	sadd.s32 s16, s20;
	[sflag:s10] =	ssyncadd.s32 $0xFFFF8000  }
0x22: {  	[hbm4b:s16+s2] =	stream.linear.scatter [tilespmem:s9], [sflag:$0x1], $0x8000, $0x38;
	[tilespmem:$0x10400] =	vst v63  }
0x23: {  	_ =	swait.ge [sflag:s13], $0x8000  }
0x24: {  	s21 =	ssub.s32 $0x2, s18;
	[sflag:s13] =	ssyncset.done $0x0  }
0x25: {  	s31 =	sshrl.u32 s21, $0x1;
	s17 =	simm.s32 $0x300;
	[sflag:s13] =	ssyncadd.s32 $0xFFFF8000  }
0x26: {  	[tilespmem:s14], [sflag:$0x2] =	stream.indirect.gather [hbm4b:s12+s8], $0x80, s17, s8, $0xb8;
	[tilespmem:$0x10400] =	vst v63  }
0x27: {  	s18 =	sadd.s32 s19, s20;
	s19 =	ssub.s32 s21, s31;
	_ =	swait.ge [sflag:s13], $0x8000  }
0x28: {  	s19 =	smax.u32 s19, $0x1;
	[sflag:s13] =	ssyncset.done $0x0  }
0x29: {  	p0 =	sne.s32 s19, $0x1;
	[sflag:s13] =	ssyncadd.s32 $0xFFFF8000  }
0x2a: {  	[hbm4b:s18+s2] =	stream.linear.scatter [tilespmem:s14], [sflag:$0x2], $0x8000, $0x38;
	[tilespmem:$0x10400] =	vst v63  }
.Ltmp0:
0x2b: {  	_ =	swait.ge [sflag:s10], $0x8000;
	(pc) =	sbr.rel @!p0 .LBB2_2-.Ltmp0, $4  }
0x2c: {  	[sflag:s10] =	ssyncset.done $0x0  }
0x2d: {  	[sflag:s10] =	ssyncadd.s32 $0xFFFF8000  }
0x2e: {  	_ =	swait.ge [sflag:s13], $0x8000  }
0x2f: {  	s19 =	sadd.s32 $0xFFFFFFFF, s19;
	[sflag:s13] =	ssyncset.done $0x0  }
.LBB2_1:
0x30: {  	p0 =	sne.s32 s19, $0x1;
	s19 =	sadd.s32 $0xFFFFFFFF, s19;
	[sflag:s13] =	ssyncadd.s32 $0xFFFF8000  }
0x31: {  	[tilespmem:s2], [sflag:$0x3] =	stream.linear.gather [hbm4b:s3+s2], $0x200, $0x38;
	[tilespmem:$0x10400] =	vst v63  }
0x32: {  	_ =	swait.ge [sflag:s4], $0x200  }
0x33: {  	[sflag:s4] =	ssyncset.done $0x0  }
0x34: {  	[sflag:s4] =	ssyncadd.s32 $0xFFFFFE00  }
0x35: {  	[tilespmem:s6], [sflag:$0x3] =	stream.linear.gather [hbm4b:s5+s2], $0x200, $0x38;
	[tilespmem:$0x10400] =	vst v63  }
0x36: {  	_ =	swait.ge [sflag:s4], $0x200  }
0x37: {  	[sflag:s4] =	ssyncset.done $0x0  }
0x38: {  	[sflag:s4] =	ssyncadd.s32 $0xFFFFFE00  }
0x39: {  	[tilespmem:s9], [sflag:$0x1] =	stream.indirect.gather [hbm4b:s7+s8], $0x80, s2, s8, $0xb8;
	[tilespmem:$0x10400] =	vst v63  }
0x3a: {  	_ =	swait.ge [sflag:s10], $0x8000  }
0x3b: {  	[sflag:s10] =	ssyncset.done $0x0  }
0x3c: {  	[sflag:s10] =	ssyncadd.s32 $0xFFFF8000  }
0x3d: {  	[hbm4b:s11+s2] =	stream.linear.scatter [tilespmem:s9], [sflag:$0x1], $0x8000, $0x38;
	[tilespmem:$0x10400] =	vst v63  }
0x3e: {  	_ = 	snop  }
0x3f: {  	[tilespmem:s14], [sflag:$0x2] =	stream.indirect.gather [hbm4b:s12+s8], $0x80, s6, s8, $0xb8;
	[tilespmem:$0x10400] =	vst v63  }
0x40: {  	_ =	swait.ge [sflag:s13], $0x8000  }
0x41: {  	[sflag:s13] =	ssyncset.done $0x0  }
0x42: {  	[sflag:s13] =	ssyncadd.s32 $0xFFFF8000  }
0x43: {  	[hbm4b:s15+s2] =	stream.linear.scatter [tilespmem:s14], [sflag:$0x2], $0x8000, $0x38;
	[tilespmem:$0x10400] =	vst v63  }
0x44: {  	_ =	swait.ge [sflag:s10], $0x8000  }
0x45: {  	[sflag:s10] =	ssyncset.done $0x0  }
0x46: {  	[sflag:s10] =	ssyncadd.s32 $0xFFFF8000  }
0x47: {  	[tilespmem:s9], [sflag:$0x1] =	stream.indirect.gather [hbm4b:s7+s8], $0x80, s8, s8, $0xb8;
	[tilespmem:$0x10400] =	vst v63  }
0x48: {  	_ =	swait.ge [sflag:s10], $0x8000  }
0x49: {  	[sflag:s10] =	ssyncset.done $0x0  }
0x4a: {  	[sflag:s10] =	ssyncadd.s32 $0xFFFF8000  }
0x4b: {  	[hbm4b:s16+s2] =	stream.linear.scatter [tilespmem:s9], [sflag:$0x1], $0x8000, $0x38;
	[tilespmem:$0x10400] =	vst v63  }
0x4c: {  	_ =	swait.ge [sflag:s13], $0x8000  }
0x4d: {  	[sflag:s13] =	ssyncset.done $0x0  }
0x4e: {  	[sflag:s13] =	ssyncadd.s32 $0xFFFF8000  }
0x4f: {  	[tilespmem:s14], [sflag:$0x2] =	stream.indirect.gather [hbm4b:s12+s8], $0x80, s17, s8, $0xb8;
	[tilespmem:$0x10400] =	vst v63  }
0x50: {  	_ =	swait.ge [sflag:s13], $0x8000  }
0x51: {  	[sflag:s13] =	ssyncset.done $0x0  }
0x52: {  	[sflag:s13] =	ssyncadd.s32 $0xFFFF8000  }
0x53: {  	[hbm4b:s18+s2] =	stream.linear.scatter [tilespmem:s14], [sflag:$0x2], $0x8000, $0x38;
	[tilespmem:$0x10400] =	vst v63  }
.Ltmp1:
0x54: {  	_ =	swait.ge [sflag:s10], $0x8000;
	(pc) =	sbr.rel @p0 .LBB2_1-.Ltmp1, $4  }
0x55: {  	[sflag:s10] =	ssyncset.done $0x0  }
0x56: {  	[sflag:s10] =	ssyncadd.s32 $0xFFFF8000  }
0x57: {  	_ =	swait.ge [sflag:s13], $0x8000  }
0x58: {  	[sflag:s13] =	ssyncset.done $0x0  }
.LBB2_2:
0x59: {  	[sflag:s13] =	ssyncadd.s32 $0xFFFF8000  }
0x5a: {  	_ =	sfence.sel $0x180000  }
0x5b: {  	[bflag:$0x0] =	sbarrier.arrive $0xFFFF  }
0x5c: {  	p0 =	sne.s32 s0, $0x0;
	_ =	strace $0x90000047  }
0x5d: {  	s0 =	sadd.s32 @!p0 $0x100000, s1;
	[bflag:$0x2] =	sbarrier.arrive $0xFFFF  }
0x5e: {  	[sflag:s0] =	ssyncadd.tile.s32 @!p0 $0x1;
	_ =	shalt  }
.Lfunc_end2:
_tile_overlayer_lowered:
.L_overlay_start_2:
0x5f: {  	(tag) =	ssettag $0x2  }
0x60: {  	s0 =	rddreg [dreg:$0x0];
	s2 =	stileid.u32  }
0x61: {  	s1 =	rddreg [dreg:$0x1];
	p0 =	sne.s32 s2, $0x0  }
0x62: {  	s3 =	rddreg [dreg:$0x2];
	[bflag:$0x3] =	sbarrier.arrive $0xFFFF;
	s2 =	simm.s32 @!p0 $0x1C03  }
0x63: {  	[timem:s3], [sflag:s2] =	dma.local @!p0 [hbm:s0], s1  }
0x64: {  	s0 =	simm.s32 @!p0 $0x3  }
0x65: {  	_ =	swait.ge @!p0 [sflag:s0], s1  }
0x66: {  	s1 =	ssub.s32 @!p0 $0x0, s1;
	[sflag:s0] =	ssyncset.done @!p0 $0x0  }
0x67: {  	[sflag:s0] =	ssyncadd.s32 @!p0 s1  }
0x68: {  	[bflag:$0x3] =	sbarrier.arrive $0xFFFF  }
0x69: {  	_ =	shalt  }

</sc_bundles>
